<compile_context>
chip_gen: v7x
topology: tpu7x:2x2x1
jax: 0.10.2.dev20260603
libtpu: 0.0.44.dev20260713+nightly
codegen_flags: <defaults>
</compile_context>

<pallas_src>
import jax
import jax.numpy as jnp
from jax.experimental import pallas as pl

_K = 4
_EPS = 1e-4


def _blend_block(xt_ref, p_ref, shm_ref, o_ref):
    xt = xt_ref[...]
    p = p_ref[...]
    x2 = ((xt[0:1, :] * xt[0:1, :] + xt[2:3, :] * xt[2:3, :])
          + xt[1:2, :] * xt[1:2, :])
    p2 = ((p[:, 0:1] * p[:, 0:1] + p[:, 2:3] * p[:, 2:3])
          + p[:, 1:2] * p[:, 1:2])
    xp = jax.lax.dot_general(
        p.astype(jnp.bfloat16), xt.astype(jnp.bfloat16),
        (((1,), (0,)), ((), ())),
        preferred_element_type=jnp.float32)
    d2 = x2 + p2 - 2.0 * xp
    m_probes = d2.shape[0]
    iota = jax.lax.broadcasted_iota(jnp.int32, d2.shape, 0)
    work = d2
    wacc = jnp.zeros_like(d2)
    wsum = jnp.zeros((1,) + d2.shape[1:], jnp.float32)
    for _ in range(_K):
        m = jnp.min(work, axis=0, keepdims=True)
        ismin = work <= m
        first = jnp.min(jnp.where(ismin, iota, m_probes), axis=0, keepdims=True)
        onehot = iota == first
        w = 1.0 / (jnp.sqrt(jnp.maximum(m, 0.0)) + _EPS)
        wacc = wacc + jnp.where(onehot, w, 0.0)
        wsum = wsum + w
        work = jnp.where(onehot, jnp.inf, work)
    wn = wacc * (1.0 / wsum)
    o_ref[...] = jax.lax.dot_general(
        wn, shm_ref[...], (((0,), (0,)), ((), ())),
        preferred_element_type=jnp.float32,
        precision=jax.lax.Precision.HIGHEST)


def kernel(xyz, sh_coeffs, probe_positions, active_sh_degree):
    n, _ = xyz.shape
    m, sh_dim, ch = sh_coeffs.shape
    active_dim = (active_sh_degree + 1) ** 2
    mask = (jnp.arange(sh_dim) < active_dim).astype(sh_coeffs.dtype)
    shm = (sh_coeffs * mask[None, :, None]).reshape(m, sh_dim * ch)
    xt = xyz.T

    block = 4096
    out = pl.pallas_call(
        _blend_block,
        grid=((n + block - 1) // block,),
        in_specs=[
            pl.BlockSpec((3, block), lambda i: (0, i)),
            pl.BlockSpec((m, 3), lambda i: (0, 0)),
            pl.BlockSpec((m, sh_dim * ch), lambda i: (0, 0)),
        ],
        out_specs=pl.BlockSpec((block, sh_dim * ch), lambda i: (i, 0)),
        out_shape=jax.ShapeDtypeStruct((n, sh_dim * ch), jnp.float32),
    )(xt, probe_positions, shm)
    return out.reshape(n, sh_dim, ch)

# --- scband reference (transcript-rebuilt; emitter-appended) ---
"""Pipeline reference for scband-lighting-probes-57440892617286 (READ-ONLY COPY).

The authoritative reference and input builder live on the scoring server;
editing this copy changes nothing except your own understanding.
"""

import jax, jax.numpy as jnp
import numpy as np

GRID_SIZE = 5
SH_DEGREE = 3
K_NEAREST = 4
N = 500000
AABB_LO = -10.0
AABB_HI = 10.0


def _probe_positions():
    c = jnp.linspace(AABB_LO, AABB_HI, GRID_SIZE)
    gx, gy, gz = jnp.meshgrid(c, c, c, indexing='ij')
    return jnp.stack([gx, gy, gz], axis=-1).reshape(-1, 3).astype(jnp.float32)


def setup_inputs(seed: int = 0) -> dict:
    key = jax.random.key(seed)
    k1, k2 = jax.random.split(key)
    xyz = jax.random.uniform(k1, (N, 3), minval=AABB_LO, maxval=AABB_HI, dtype=jnp.float32)
    M = GRID_SIZE ** 3
    sh_dim = (SH_DEGREE + 1) ** 2
    # learned parameter (torch init is zeros; use small noise for a nontrivial output)
    sh_coeffs = jax.random.normal(k2, (M, sh_dim, 3), dtype=jnp.float32) * 0.01
    probe_positions = _probe_positions()
    return {"xyz": xyz, "sh_coeffs": sh_coeffs, "probe_positions": probe_positions, "active_sh_degree": 2}


def reference(xyz, sh_coeffs, probe_positions, active_sh_degree):
    sh_dim = sh_coeffs.shape[1]
    active_dim = (active_sh_degree + 1) ** 2
    K = K_NEAREST
    # cdist via ||x||^2 + ||p||^2 - 2 x.p (avoids materializing N x M x 3)
    x2 = jnp.sum(xyz * xyz, axis=-1, keepdims=True)
    p2 = jnp.sum(probe_positions * probe_positions, axis=-1)
    d2 = x2 + p2[None, :] - 2.0 * (xyz @ probe_positions.T)
    dists = jnp.sqrt(jnp.clip(d2, 0.0, None))
    neg_top, topk_idx = jax.lax.top_k(-dists, K)  # smallest-K
    topk_dists = -neg_top
    weights = 1.0 / (topk_dists + 0.0001)
    weights = weights / jnp.sum(weights, axis=-1, keepdims=True)
    probe_sh = sh_coeffs[topk_idx]  # gather: [N, K, sh_dim, 3]
    sh_delta = jnp.sum(probe_sh * weights[:, :, None, None], axis=1)
    # zero out bands beyond active_sh_degree
    mask = (jnp.arange(sh_dim) < active_dim).astype(sh_delta.dtype)
    return sh_delta * mask[None, :, None]

if __name__ == "__main__":
    import jax
    _d = setup_inputs()
    print(jax.jit(kernel)(*tuple(_d.values())))

</pallas_src>

<mosaic_0001>
module attributes {stable_mosaic.version = 14 : i64} {
  func.func @_blend_block(%arg0: i32, %arg1: memref<3x4096xf32, #tpu.memory_space<vmem>>, %arg2: memref<125x3xf32, #tpu.memory_space<vmem>>, %arg3: memref<125x48xf32, #tpu.memory_space<vmem>>, %arg4: memref<4096x48xf32, #tpu.memory_space<vmem>>) attributes {dimension_semantics = [#tpu.dimension_semantics<arbitrary>], iteration_bounds = array<i64: 123>, scalar_prefetch = 0 : i64, scratch_operands = 0 : i64, tpu.core_type = #tpu.core_type<tc>, window_params = [{transform_indices = @transform_0, window_bounds = array<i64: 3, 4096>}, {pipeline_mode = #tpu.pipeline_mode<synchronous>, transform_indices = @transform_1, window_bounds = array<i64: 125, 3>}, {pipeline_mode = #tpu.pipeline_mode<synchronous>, transform_indices = @transform_2, window_bounds = array<i64: 125, 48>}, {transform_indices = @transform_3, window_bounds = array<i64: 4096, 48>}]} {
    %get3A = arith.constant 0 : index
    %get3A_0 = arith.constant 0 : index
    %get3A_1 = vector.load %arg1[%get3A, %get3A_0] : memref<3x4096xf32, #tpu.memory_space<vmem>>, vector<3x4096xf32>
    %get3A_2 = arith.constant 0 : index
    %get3A_3 = arith.constant 0 : index
    %get3A_4 = vector.load %arg2[%get3A_2, %get3A_3] : memref<125x3xf32, #tpu.memory_space<vmem>>, vector<125x3xf32>
    %slice3A = vector.extract_strided_slice %get3A_1 {offsets = [0, 0], sizes = [1, 4096], strides = [1, 1]} : vector<3x4096xf32> to vector<1x4096xf32>
    %slice3A_5 = vector.extract_strided_slice %get3A_1 {offsets = [0, 0], sizes = [1, 4096], strides = [1, 1]} : vector<3x4096xf32> to vector<1x4096xf32>
    %mul3A = arith.mulf %slice3A, %slice3A_5 : vector<1x4096xf32>
    %slice3A_6 = vector.extract_strided_slice %get3A_1 {offsets = [2, 0], sizes = [1, 4096], strides = [1, 1]} : vector<3x4096xf32> to vector<1x4096xf32>
    %slice3A_7 = vector.extract_strided_slice %get3A_1 {offsets = [2, 0], sizes = [1, 4096], strides = [1, 1]} : vector<3x4096xf32> to vector<1x4096xf32>
    %mul3A_8 = arith.mulf %slice3A_6, %slice3A_7 : vector<1x4096xf32>
    %add3A = arith.addf %mul3A, %mul3A_8 : vector<1x4096xf32>
    %slice3A_9 = vector.extract_strided_slice %get3A_1 {offsets = [1, 0], sizes = [1, 4096], strides = [1, 1]} : vector<3x4096xf32> to vector<1x4096xf32>
    %slice3A_10 = vector.extract_strided_slice %get3A_1 {offsets = [1, 0], sizes = [1, 4096], strides = [1, 1]} : vector<3x4096xf32> to vector<1x4096xf32>
    %mul3A_11 = arith.mulf %slice3A_9, %slice3A_10 : vector<1x4096xf32>
    %add3A_12 = arith.addf %add3A, %mul3A_11 : vector<1x4096xf32>
    %slice3A_13 = vector.extract_strided_slice %get3A_4 {offsets = [0, 0], sizes = [125, 1], strides = [1, 1]} : vector<125x3xf32> to vector<125x1xf32>
    %slice3A_14 = vector.extract_strided_slice %get3A_4 {offsets = [0, 0], sizes = [125, 1], strides = [1, 1]} : vector<125x3xf32> to vector<125x1xf32>
    %mul3A_15 = arith.mulf %slice3A_13, %slice3A_14 : vector<125x1xf32>
    %slice3A_16 = vector.extract_strided_slice %get3A_4 {offsets = [0, 2], sizes = [125, 1], strides = [1, 1]} : vector<125x3xf32> to vector<125x1xf32>
    %slice3A_17 = vector.extract_strided_slice %get3A_4 {offsets = [0, 2], sizes = [125, 1], strides = [1, 1]} : vector<125x3xf32> to vector<125x1xf32>
    %mul3A_18 = arith.mulf %slice3A_16, %slice3A_17 : vector<125x1xf32>
    %add3A_19 = arith.addf %mul3A_15, %mul3A_18 : vector<125x1xf32>
    %slice3A_20 = vector.extract_strided_slice %get3A_4 {offsets = [0, 1], sizes = [125, 1], strides = [1, 1]} : vector<125x3xf32> to vector<125x1xf32>
    %slice3A_21 = vector.extract_strided_slice %get3A_4 {offsets = [0, 1], sizes = [125, 1], strides = [1, 1]} : vector<125x3xf32> to vector<125x1xf32>
    %mul3A_22 = arith.mulf %slice3A_20, %slice3A_21 : vector<125x1xf32>
    %add3A_23 = arith.addf %add3A_19, %mul3A_22 : vector<125x1xf32>
    %convert_element_type3A = arith.truncf %get3A_4 : vector<125x3xf32> to vector<125x3xbf16>
    %convert_element_type3A_24 = arith.truncf %get3A_1 : vector<3x4096xf32> to vector<3x4096xbf16>
    %dot_general3A = arith.constant dense<0.000000e+00> : vector<125x4096xf32>
    %dot_general3A_25 = tpu.matmul %convert_element_type3A, %convert_element_type3A_24, %dot_general3A {dimension_numbers = #tpu.dot_dimension_numbers<[1], [0], [0], [1], [0, 0, 1, 1], [], []>, transpose_lhs_hint = false} : vector<125x3xbf16>, vector<3x4096xbf16>, vector<125x4096xf32> -> vector<125x4096xf32>
    %add3A_26 = vector.broadcast %add3A_12 : vector<1x4096xf32> to vector<125x4096xf32>
    %add3A_27 = vector.broadcast %add3A_23 : vector<125x1xf32> to vector<125x4096xf32>
    %add3A_28 = arith.addf %add3A_26, %add3A_27 : vector<125x4096xf32>
    %mul3A_29 = arith.constant 2.000000e+00 : f32
    %mul3A_30 = vector.broadcast %mul3A_29 : f32 to vector<125x4096xf32>
    %mul3A_31 = arith.mulf %mul3A_30, %dot_general3A_25 : vector<125x4096xf32>
    %sub3A = arith.subf %add3A_28, %mul3A_31 : vector<125x4096xf32>
    %iota3A = tpu.iota {dimensions = array<i32: 0>} : vector<125x4096xi32>
    %broadcast_in_dim3A = arith.constant 0.000000e+00 : f32
    %broadcast_in_dim3A_32 = vector.broadcast %broadcast_in_dim3A : f32 to vector<125x4096xf32>
    %broadcast_in_dim3A_33 = arith.constant 0.000000e+00 : f32
    %broadcast_in_dim3A_34 = vector.broadcast %broadcast_in_dim3A_33 : f32 to vector<1x4096xf32>
    %reduce_min3A = arith.constant dense<0x7F800000> : vector<4096xf32>
    %reduce_min3A_35 = vector.multi_reduction <minimumf>, %sub3A, %reduce_min3A [0] : vector<125x4096xf32> to vector<4096xf32>
    %broadcast_in_dim3A_36 = vector.shape_cast %reduce_min3A_35 : vector<4096xf32> to vector<1x4096xf32>
    %le3A = vector.broadcast %broadcast_in_dim3A_36 : vector<1x4096xf32> to vector<125x4096xf32>
    %le3A_37 = arith.cmpf ole, %sub3A, %le3A : vector<125x4096xf32>
    %jit3A = arith.constant 125 : i32
    %broadcast_in_dim3A_38 = vector.broadcast %jit3A : i32 to vector<125x4096xi32>
    %select_n3A = arith.select %le3A_37, %iota3A, %broadcast_in_dim3A_38 : vector<125x4096xi1>, vector<125x4096xi32>
    %reduce_min3A_39 = arith.constant dense<2147483647> : vector<4096xi32>
    %reduce_min3A_40 = vector.multi_reduction <minsi>, %select_n3A, %reduce_min3A_39 [0] : vector<125x4096xi32> to vector<4096xi32>
    %broadcast_in_dim3A_41 = vector.shape_cast %reduce_min3A_40 : vector<4096xi32> to vector<1x4096xi32>
    %eq3A = vector.broadcast %broadcast_in_dim3A_41 : vector<1x4096xi32> to vector<125x4096xi32>
    %eq3A_42 = arith.cmpi eq, %iota3A, %eq3A : vector<125x4096xi32>
    %max3A = arith.constant 0.000000e+00 : f32
    %max3A_43 = vector.broadcast %max3A : f32 to vector<1x4096xf32>
    %max3A_44 = arith.maximumf %broadcast_in_dim3A_36, %max3A_43 : vector<1x4096xf32>
    %sqrt3A = math.sqrt %max3A_44 : vector<1x4096xf32>
    %add3A_45 = arith.constant 9.99999974E-5 : f32
    %add3A_46 = vector.broadcast %add3A_45 : f32 to vector<1x4096xf32>
    %add3A_47 = arith.addf %sqrt3A, %add3A_46 : vector<1x4096xf32>
    %div3A = arith.constant 1.000000e+00 : f32
    %div3A_48 = vector.broadcast %div3A : f32 to vector<1x4096xf32>
    %div3A_49 = arith.divf %div3A_48, %add3A_47 : vector<1x4096xf32>
    %jit3A_50 = arith.constant 0.000000e+00 : f32
    %broadcast_in_dim3A_51 = vector.shape_cast %div3A_49 : vector<1x4096xf32> to vector<1x4096xf32>
    %broadcast_in_dim3A_52 = vector.broadcast %broadcast_in_dim3A_51 : vector<1x4096xf32> to vector<125x4096xf32>
    %broadcast_in_dim3A_53 = vector.broadcast %jit3A_50 : f32 to vector<125x4096xf32>
    %select_n3A_54 = arith.select %eq3A_42, %broadcast_in_dim3A_52, %broadcast_in_dim3A_53 : vector<125x4096xi1>, vector<125x4096xf32>
    %add3A_55 = arith.addf %broadcast_in_dim3A_32, %select_n3A_54 : vector<125x4096xf32>
    %add3A_56 = arith.addf %broadcast_in_dim3A_34, %div3A_49 : vector<1x4096xf32>
    %jit3A_57 = arith.constant 0x7F800000 : f32
    %broadcast_in_dim3A_58 = vector.broadcast %jit3A_57 : f32 to vector<125x4096xf32>
    %select_n3A_59 = arith.select %eq3A_42, %broadcast_in_dim3A_58, %sub3A : vector<125x4096xi1>, vector<125x4096xf32>
    %reduce_min3A_60 = arith.constant dense<0x7F800000> : vector<4096xf32>
    %reduce_min3A_61 = vector.multi_reduction <minimumf>, %select_n3A_59, %reduce_min3A_60 [0] : vector<125x4096xf32> to vector<4096xf32>
    %broadcast_in_dim3A_62 = vector.shape_cast %reduce_min3A_61 : vector<4096xf32> to vector<1x4096xf32>
    %le3A_63 = vector.broadcast %broadcast_in_dim3A_62 : vector<1x4096xf32> to vector<125x4096xf32>
    %le3A_64 = arith.cmpf ole, %select_n3A_59, %le3A_63 : vector<125x4096xf32>
    %jit3A_65 = arith.constant 125 : i32
    %broadcast_in_dim3A_66 = vector.broadcast %jit3A_65 : i32 to vector<125x4096xi32>
    %select_n3A_67 = arith.select %le3A_64, %iota3A, %broadcast_in_dim3A_66 : vector<125x4096xi1>, vector<125x4096xi32>
    %reduce_min3A_68 = arith.constant dense<2147483647> : vector<4096xi32>
    %reduce_min3A_69 = vector.multi_reduction <minsi>, %select_n3A_67, %reduce_min3A_68 [0] : vector<125x4096xi32> to vector<4096xi32>
    %broadcast_in_dim3A_70 = vector.shape_cast %reduce_min3A_69 : vector<4096xi32> to vector<1x4096xi32>
    %eq3A_71 = vector.broadcast %broadcast_in_dim3A_70 : vector<1x4096xi32> to vector<125x4096xi32>
    %eq3A_72 = arith.cmpi eq, %iota3A, %eq3A_71 : vector<125x4096xi32>
    %max3A_73 = arith.constant 0.000000e+00 : f32
    %max3A_74 = vector.broadcast %max3A_73 : f32 to vector<1x4096xf32>
    %max3A_75 = arith.maximumf %broadcast_in_dim3A_62, %max3A_74 : vector<1x4096xf32>
    %sqrt3A_76 = math.sqrt %max3A_75 : vector<1x4096xf32>
    %add3A_77 = arith.constant 9.99999974E-5 : f32
    %add3A_78 = vector.broadcast %add3A_77 : f32 to vector<1x4096xf32>
    %add3A_79 = arith.addf %sqrt3A_76, %add3A_78 : vector<1x4096xf32>
    %div3A_80 = arith.constant 1.000000e+00 : f32
    %div3A_81 = vector.broadcast %div3A_80 : f32 to vector<1x4096xf32>
    %div3A_82 = arith.divf %div3A_81, %add3A_79 : vector<1x4096xf32>
    %jit3A_83 = arith.constant 0.000000e+00 : f32
    %broadcast_in_dim3A_84 = vector.shape_cast %div3A_82 : vector<1x4096xf32> to vector<1x4096xf32>
    %broadcast_in_dim3A_85 = vector.broadcast %broadcast_in_dim3A_84 : vector<1x4096xf32> to vector<125x4096xf32>
    %broadcast_in_dim3A_86 = vector.broadcast %jit3A_83 : f32 to vector<125x4096xf32>
    %select_n3A_87 = arith.select %eq3A_72, %broadcast_in_dim3A_85, %broadcast_in_dim3A_86 : vector<125x4096xi1>, vector<125x4096xf32>
    %add3A_88 = arith.addf %add3A_55, %select_n3A_87 : vector<125x4096xf32>
    %add3A_89 = arith.addf %add3A_56, %div3A_82 : vector<1x4096xf32>
    %jit3A_90 = arith.constant 0x7F800000 : f32
    %broadcast_in_dim3A_91 = vector.broadcast %jit3A_90 : f32 to vector<125x4096xf32>
    %select_n3A_92 = arith.select %eq3A_72, %broadcast_in_dim3A_91, %select_n3A_59 : vector<125x4096xi1>, vector<125x4096xf32>
    %reduce_min3A_93 = arith.constant dense<0x7F800000> : vector<4096xf32>
    %reduce_min3A_94 = vector.multi_reduction <minimumf>, %select_n3A_92, %reduce_min3A_93 [0] : vector<125x4096xf32> to vector<4096xf32>
    %broadcast_in_dim3A_95 = vector.shape_cast %reduce_min3A_94 : vector<4096xf32> to vector<1x4096xf32>
    %le3A_96 = vector.broadcast %broadcast_in_dim3A_95 : vector<1x4096xf32> to vector<125x4096xf32>
    %le3A_97 = arith.cmpf ole, %select_n3A_92, %le3A_96 : vector<125x4096xf32>
    %jit3A_98 = arith.constant 125 : i32
    %broadcast_in_dim3A_99 = vector.broadcast %jit3A_98 : i32 to vector<125x4096xi32>
    %select_n3A_100 = arith.select %le3A_97, %iota3A, %broadcast_in_dim3A_99 : vector<125x4096xi1>, vector<125x4096xi32>
    %reduce_min3A_101 = arith.constant dense<2147483647> : vector<4096xi32>
    %reduce_min3A_102 = vector.multi_reduction <minsi>, %select_n3A_100, %reduce_min3A_101 [0] : vector<125x4096xi32> to vector<4096xi32>
    %broadcast_in_dim3A_103 = vector.shape_cast %reduce_min3A_102 : vector<4096xi32> to vector<1x4096xi32>
    %eq3A_104 = vector.broadcast %broadcast_in_dim3A_103 : vector<1x4096xi32> to vector<125x4096xi32>
    %eq3A_105 = arith.cmpi eq, %iota3A, %eq3A_104 : vector<125x4096xi32>
    %max3A_106 = arith.constant 0.000000e+00 : f32
    %max3A_107 = vector.broadcast %max3A_106 : f32 to vector<1x4096xf32>
    %max3A_108 = arith.maximumf %broadcast_in_dim3A_95, %max3A_107 : vector<1x4096xf32>
    %sqrt3A_109 = math.sqrt %max3A_108 : vector<1x4096xf32>
    %add3A_110 = arith.constant 9.99999974E-5 : f32
    %add3A_111 = vector.broadcast %add3A_110 : f32 to vector<1x4096xf32>
    %add3A_112 = arith.addf %sqrt3A_109, %add3A_111 : vector<1x4096xf32>
    %div3A_113 = arith.constant 1.000000e+00 : f32
    %div3A_114 = vector.broadcast %div3A_113 : f32 to vector<1x4096xf32>
    %div3A_115 = arith.divf %div3A_114, %add3A_112 : vector<1x4096xf32>
    %jit3A_116 = arith.constant 0.000000e+00 : f32
    %broadcast_in_dim3A_117 = vector.shape_cast %div3A_115 : vector<1x4096xf32> to vector<1x4096xf32>
    %broadcast_in_dim3A_118 = vector.broadcast %broadcast_in_dim3A_117 : vector<1x4096xf32> to vector<125x4096xf32>
    %broadcast_in_dim3A_119 = vector.broadcast %jit3A_116 : f32 to vector<125x4096xf32>
    %select_n3A_120 = arith.select %eq3A_105, %broadcast_in_dim3A_118, %broadcast_in_dim3A_119 : vector<125x4096xi1>, vector<125x4096xf32>
    %add3A_121 = arith.addf %add3A_88, %select_n3A_120 : vector<125x4096xf32>
    %add3A_122 = arith.addf %add3A_89, %div3A_115 : vector<1x4096xf32>
    %jit3A_123 = arith.constant 0x7F800000 : f32
    %broadcast_in_dim3A_124 = vector.broadcast %jit3A_123 : f32 to vector<125x4096xf32>
    %select_n3A_125 = arith.select %eq3A_105, %broadcast_in_dim3A_124, %select_n3A_92 : vector<125x4096xi1>, vector<125x4096xf32>
    %reduce_min3A_126 = arith.constant dense<0x7F800000> : vector<4096xf32>
    %reduce_min3A_127 = vector.multi_reduction <minimumf>, %select_n3A_125, %reduce_min3A_126 [0] : vector<125x4096xf32> to vector<4096xf32>
    %broadcast_in_dim3A_128 = vector.shape_cast %reduce_min3A_127 : vector<4096xf32> to vector<1x4096xf32>
    %le3A_129 = vector.broadcast %broadcast_in_dim3A_128 : vector<1x4096xf32> to vector<125x4096xf32>
    %le3A_130 = arith.cmpf ole, %select_n3A_125, %le3A_129 : vector<125x4096xf32>
    %jit3A_131 = arith.constant 125 : i32
    %broadcast_in_dim3A_132 = vector.broadcast %jit3A_131 : i32 to vector<125x4096xi32>
    %select_n3A_133 = arith.select %le3A_130, %iota3A, %broadcast_in_dim3A_132 : vector<125x4096xi1>, vector<125x4096xi32>
    %reduce_min3A_134 = arith.constant dense<2147483647> : vector<4096xi32>
    %reduce_min3A_135 = vector.multi_reduction <minsi>, %select_n3A_133, %reduce_min3A_134 [0] : vector<125x4096xi32> to vector<4096xi32>
    %broadcast_in_dim3A_136 = vector.shape_cast %reduce_min3A_135 : vector<4096xi32> to vector<1x4096xi32>
    %eq3A_137 = vector.broadcast %broadcast_in_dim3A_136 : vector<1x4096xi32> to vector<125x4096xi32>
    %eq3A_138 = arith.cmpi eq, %iota3A, %eq3A_137 : vector<125x4096xi32>
    %max3A_139 = arith.constant 0.000000e+00 : f32
    %max3A_140 = vector.broadcast %max3A_139 : f32 to vector<1x4096xf32>
    %max3A_141 = arith.maximumf %broadcast_in_dim3A_128, %max3A_140 : vector<1x4096xf32>
    %sqrt3A_142 = math.sqrt %max3A_141 : vector<1x4096xf32>
    %add3A_143 = arith.constant 9.99999974E-5 : f32
    %add3A_144 = vector.broadcast %add3A_143 : f32 to vector<1x4096xf32>
    %add3A_145 = arith.addf %sqrt3A_142, %add3A_144 : vector<1x4096xf32>
    %div3A_146 = arith.constant 1.000000e+00 : f32
    %div3A_147 = vector.broadcast %div3A_146 : f32 to vector<1x4096xf32>
    %div3A_148 = arith.divf %div3A_147, %add3A_145 : vector<1x4096xf32>
    %jit3A_149 = arith.constant 0.000000e+00 : f32
    %broadcast_in_dim3A_150 = vector.shape_cast %div3A_148 : vector<1x4096xf32> to vector<1x4096xf32>
    %broadcast_in_dim3A_151 = vector.broadcast %broadcast_in_dim3A_150 : vector<1x4096xf32> to vector<125x4096xf32>
    %broadcast_in_dim3A_152 = vector.broadcast %jit3A_149 : f32 to vector<125x4096xf32>
    %select_n3A_153 = arith.select %eq3A_138, %broadcast_in_dim3A_151, %broadcast_in_dim3A_152 : vector<125x4096xi1>, vector<125x4096xf32>
    %add3A_154 = arith.addf %add3A_121, %select_n3A_153 : vector<125x4096xf32>
    %add3A_155 = arith.addf %add3A_122, %div3A_148 : vector<1x4096xf32>
    %div3A_156 = arith.constant 1.000000e+00 : f32
    %div3A_157 = vector.broadcast %div3A_156 : f32 to vector<1x4096xf32>
    %div3A_158 = arith.divf %div3A_157, %add3A_155 : vector<1x4096xf32>
    %mul3A_159 = vector.broadcast %div3A_158 : vector<1x4096xf32> to vector<125x4096xf32>
    %mul3A_160 = arith.mulf %add3A_154, %mul3A_159 : vector<125x4096xf32>
    %get3A_161 = arith.constant 0 : index
    %get3A_162 = arith.constant 0 : index
    %get3A_163 = vector.load %arg3[%get3A_161, %get3A_162] : memref<125x48xf32, #tpu.memory_space<vmem>>, vector<125x48xf32>
    %dot_general3A_164 = arith.constant dense<0.000000e+00> : vector<4096x48xf32>
    %dot_general3A_165 = tpu.matmul %mul3A_160, %get3A_163, %dot_general3A_164 {dimension_numbers = #tpu.dot_dimension_numbers<[0], [0], [1], [1], [0, 1, 1, 1], [], []>, precision = #tpu.contract_precision<fp32>, transpose_lhs_hint = false} : vector<125x4096xf32>, vector<125x48xf32>, vector<4096x48xf32> -> vector<4096x48xf32>
    %swap3A = arith.constant 0 : index
    %swap3A_166 = arith.constant 0 : index
    %swap3A_167 = vector.load %arg4[%swap3A, %swap3A_166] : memref<4096x48xf32, #tpu.memory_space<vmem>>, vector<4096x48xf32>
    tpu.vector_store %arg4[%swap3A, %swap3A_166], %dot_general3A_165 {strides = array<i32>} : memref<4096x48xf32, #tpu.memory_space<vmem>>, vector<4096x48xf32>,
    return
  }
  func.func @transform_0(%arg0: i32) -> (i32, i32) {
    %c0_i32 = arith.constant 0 : i32
    %c0_i32_0 = arith.constant 0 : i32
    return %c0_i32, %arg0 : i32, i32
  }
  func.func @transform_1(%arg0: i32) -> (i32, i32) {
    %c0_i32 = arith.constant 0 : i32
    %c0_i32_0 = arith.constant 0 : i32
    %c0_i32_1 = arith.constant 0 : i32
    return %c0_i32, %c0_i32_0 : i32, i32
  }
  func.func @transform_2(%arg0: i32) -> (i32, i32) {
    %c0_i32 = arith.constant 0 : i32
    %c0_i32_0 = arith.constant 0 : i32
    %c0_i32_1 = arith.constant 0 : i32
    return %c0_i32, %c0_i32_0 : i32, i32
  }
  func.func @transform_3(%arg0: i32) -> (i32, i32) {
    %c0_i32 = arith.constant 0 : i32
    %c0_i32_0 = arith.constant 0 : i32
    return %arg0, %c0_i32 : i32, i32
  }
}

</mosaic_0001>

<sc_bundles>
// kernel: sparse-core-data-format-call.cloned.1.call-start
scs
called_computation_lowered:
.L_overlay_start_0:
0x0: {  	s2 =	sld [smem:$0x3FD9]  }
0x1: {  	s3 =	sld [smem:$0x3FFE];
	_ =	sdelay $0x1  }
0x2: {  	s1 =	srdreg.scid  }
0x3: {  	s0 =	sand.u32 $0x1, s1  }
0x4: {  	s18 =	sshll.u32 s0, $0xA;
	s2 =	sadd.s32 s3, s2  }
0x5: {  	s2 =	sadd.s32 s2, s18  }
0x6: {  	[smem:$0x3FC4] =	sst s2  }
0x7: {  	_ = 	snop  }
0x8: {  	s2 =	sld [smem:$0x3FD0];
	(tm) =	ssettm $0x1  }
0x9: {  	s19 =	sld [smem:$0x3FFB];
	_ =	sdelay $0x3  }
0xa: {  	_ =	strace s19  }
0xb: {  	s3 =	sld [smem:$0x3FFC];
	_ =	sdelay $0x3  }
0xc: {  	_ =	strace s3  }
0xd: {  	s3 =	sld [smem:$0x3FFD];
	_ =	sdelay $0x3  }
0xe: {  	_ =	strace s3  }
0xf: {  	_ =	strace $0x8FFFFFFF  }
0x10: {  	s20 =	sld [smem:$0x3FDB];
	_ =	sdelay $0x1  }
0x11: {  	s4 =	simm.s32 $_scs_section_size  }
0x12: {  	s5 =	simm.s32 $_size__tile_overlayer_lowered;
	s6 =	simm.s32 $_tile_overlayer_lowered  }
0x13: {  	s23 =	simm.s32 $0x1BFF;
	s22 =	sshll.u32 s6, $0x1;
	s3 =	sadd.s32 s4, s20  }
0x14: {  	s7 =	simm.s32 $0x0;
	s21 =	sshll.u32 s5, $0x1;
	s5 =	sadd.s32 s22, s3  }
0x15: {  	[timem:s7], [sflag:s23] =	dma.local [hbm:s5], s21  }
0x16: {  	_ =	swait.ge [sflag:s23], s21  }
0x17: {  	s4 =	ssub.s32 $0x0, s21;
	[sflag:s23] =	ssyncset.done $0x0  }
0x18: {  	[sflag:s23] =	ssyncadd.s32 s4;
	_ =	sdelay $0x1  }
0x19: {  	s24 =	simm.s32 $0x1B8B  }
0x1a: {  	_ =	swait.ge [sflag:s24], $0x1  }
0x1b: {  	[sflag:s24] =	ssyncset.done $0x0  }
0x1c: {  	s26 =	simm.s32 $0x1B8E;
	s25 =	sld [smem:$0x3FFE];
	[sflag:s24] =	ssyncadd.s32 $0xFFFFFFFF  }
0x1d: {  	s27 =	simm.s32 $execute0_lowered;
	[smem:$0x3FD2] =	sst s26  }
0x1e: {  	s5 =	sshll.u32 s27, $0x1;
	_ =	strace $0x80000046;
	[dreg:$0x1] =	wrdreg $0xFFFFFFFF  }
0x1f: {  	s28 =	simm.s32 $_size_execute0_lowered;
	s3 =	sadd.s32 s3, s5;
	[dreg:$0x0] =	wrdreg $0x0  }
0x20: {  	s5 =	sshll.u32 s28, $0x1;
	[dreg:$0x2] =	wrdreg s3  }
0x21: {  	[dreg:$0x3] =	wrdreg s5  }
0x22: {  	[dreg:$0x4] =	wrdreg $0xC0  }
0x23: {  	_ =	task [dreg:s7], $0x5FFFF  }
0x24: {  	[dreg:$0x1] =	wrdreg $0xFFFFFFFF  }
0x25: {  	[dreg:$0x0] =	wrdreg $0x60  }
0x26: {  	[dreg:$0x2] =	wrdreg s25  }
0x27: {  	[dreg:$0x3] =	wrdreg s2  }
0x28: {  	[dreg:$0x4] =	wrdreg $0x9  }
0x29: {  	_ =	task.clear_ibuf [dreg:s7], $0x5FFFF;
	_ =	strace $0x90000046  }
0x2a: {  	s29 =	simm.s32 $0x9;
	_ =	strace $0x80000048  }
0x2b: {  	_ =	swait.ge [sflag:s29], $0x1  }
0x2c: {  	[sflag:s29] =	ssyncadd.s32 $0xFFFFFFFF  }
0x2d: {  	_ =	strace $0x90000048  }
0x2e: {  	_ =	sfence  }
0x2f: {  	s30 =	sld [smem:$0x0];
	_ =	sdelay $0x2  }
0x30: {  	s31 =	sshll.u32 s1, $0xD;
	s1 =	sshrl.u32 s1, $0x2  }
0x31: {  	s3 =	sand.u32 $0x4000, s31;
	s1 =	sadd.s32 s1, s30  }
0x32: {  	s0 =	sor.u32 s3, s0;
	s1 =	sshll.u32 s1, $0x11  }
0x33: {  	s0 =	sor.u32 s1, s0  }
0x34: {  	s0 =	sadd.s32 $0x8F2B, s0  }
0x35: {  	[sflag:s0] =	ssyncadd.remote.s32 $0x1  }
0x36: {  	_ =	sfence.sel $0xFFFF  }
0x37: {  	[dreg:$0x0] =	wrdreg $0xFFFFFFFF;
	(pc) =	sbr.abs _section_cstart, $3  }
0x38: {  	[dreg:$0x1] =	wrdreg $0xFFFFFFFF  }
0x39: {  	_ =	task.clear_ibuf [dreg:s7], $0x2FFFF;
	_ =	strace $0x9FFFFFFF  }
0x3a: {  	(tm) =	ssettm $0x7FFFFFFF  }
0x3b: {  	_ =	shalt  }
tec
execute0_lowered:
.L_overlay_start_1:
0x0: {  	(tag) =	ssettag $0x1  }
0x1: {  	s5 =	rddreg [dreg:$0x0]  }
0x2: {  	s0 =	srdreg.scid;
	s3 =	rddreg [dreg:$0x1]  }
0x3: {  	s31 =	simm.s32 $0x2;
	s15 =	simm.s32 $0x0;
	s1 =	sshll.u32 s0, $0x4  }
0x4: {  	s8 =	simm.s32 $0x3D0C00;
	s0 =	stileid.u32;
	s1 =	sand.u32 $0x10, s1  }
0x5: {  	s9 =	simm.s32 $0x0;
	s14 =	simm.s32 $0x0;
	s1 =	sor.u32 s0, s1  }
0x6: {  	s16 =	simm.s32 $0x0;
	s11 =	simm.s32 $0x0;
	s2 =	sshll.u32 s1, $0x7  }
.Ltmp0:
0x7: {  	s12 =	simm.s32 $0x0;
	s4 =	ssub.s32 $0x7A100, s2;
	(pc) =	sbr.rel .LBB1_1-.Ltmp0, $4  }
0x8: {  	s13 =	simm.s32 $0x0;
	s1 =	rddreg [dreg:$0x2];
	s6 =	sshrl.u32 s4, $0xC  }
0x9: {  	_ =	strace $0x80000047;
	s4 =	simm.s32 $0x1;
	s7 =	smul.u32 $0x3, s6  }
0xa: {  	s5 =	sadd.s32 $0x600, s5;
	s10 =	smov.u32 s2;
	[sflag:s4] =	ssyncpa.u1 $0x0  }
0xb: {  	[sflag:s31] =	ssyncpa.u1 $0x0;
	s6 =	sadd.s32 $0x3, s7;
	s7 =	sadd.s32 $0x4, s7  }
.LBB1_5:
0xc: {  	s17 =	sadd.s32 $0x1000, s10  }
0xd: {  	s14 =	simm.s32 $0x1;
	p1 =	sgt.s32 s17, $0x7A11F  }
0xe: {  	s14 =	simm.s32 @!p1 $0x0  }
0xf: {  	s18 =	sadd.s32 s14, s11  }
0x10: {  	s20 =	smov.u32 s12;
	s14 =	sadd.s32 $0x10, s12;
	p2 =	sgt.s32 s18, $0x2  }
0x11: {  	s20 =	smov.u32 @p2 s14  }
0x12: {  	s17 =	smov.u32 @p1 s2;
	p1 =	sgt.s32 s20, $0xF  }
0x13: {  	p0 =	slt.u32 s13, $0x2;
	s20 =	simm.s32 @p1 $0x0;
	p1 =	sne.s32 s13, s7  }
.Ltmp1:
0x14: {  	s19 =	simm.s32 @!p0 $0x2;
	(pc) =	sbr.rel @!p1 .LBB1_6-.Ltmp1, $4  }
0x15: {  	s15 =	smov.u32 s10;
	s16 =	smov.u32 s12;
	_ =	swait.ge @!p0 [sflag:s19], $0x800  }
0x16: {  	s9 =	sadd.s32 $0x800, s9;
	[sflag:s19] =	ssyncset.done @!p0 $0x0;
	s10 =	smov.u32 s17  }
0x17: {  	[sflag:s19] =	ssyncadd.s32 @!p0 $0xFFFFF800;
	s18 =	simm.s32 @p2 $0x0;
	s14 =	smov.u32 s11  }
0x18: {  	s11 =	smov.u32 s18;
	s13 =	sadd.s32 $0x1, s13;
	s12 =	smov.u32 s20  }
.LBB1_1:
0x19: {  	p0 =	sge.u32 s13, s6  }
0x1a: {  	s17 =	sshrl.u32 @!p0 s11, $0x2  }
0x1b: {  	s18 =	sshll.u32 @!p0 s10, $0x2;
	s17 =	smul.u32 @!p0 $0x1E8600, s17  }
0x1c: {  	s19 =	sshll.u32 @!p0 s11, $0x7;
	s18 =	sand.u32 @!p0 $0xFFFFFE00, s18  }
0x1d: {  	s17 =	sadd.s32 @!p0 s17, s18;
	s18 =	sand.u32 @!p0 $0x180, s19  }
0x1e: {  	s17 =	sor.u32 @!p0 s18, s17  }
0x1f: {  	s18 =	sshrl.u32 @!p0 s17, $0x7  }
0x20: {  	s18 =	smulhi.u32 @!p0 $0x10C6249, s18;
	_ =	sdelay $0x1  }
0x21: {  	s18 =	sshrl.u32 @!p0 s18, $0x4  }
0x22: {  	s20 =	sand.u32 @!p0 $0x7F, s10;
	s19 =	sxor.u32 @!p0 $0xFFFFFFFF, s13;
	s21 =	smul.u32 @!p0 $0x7A180, s18  }
0x23: {  	s17 =	sor.u32 @!p0 s20, s17;
	s20 =	smul.u32 @!p0 $0x3D0C0, s12;
	s18 =	sand.u32 @!p0 $0x3, s18  }
0x24: {  	s19 =	sshll.u32 @!p0 s19, $0xB;
	s18 =	smul.u32 @!p0 $0xF430, s18;
	s17 =	ssub.s32 @!p0 s17, s21  }
0x25: {  	s19 =	sand.u32 @!p0 $0x800, s19;
	s20 =	sadd.s32 @!p0 s5, s20;
	s21 =	sand.u32 @!p0 $0x7, s17  }
0x26: {  	s17 =	sshrl.u32 @!p0 s17, $0x3;
	s18 =	sadd.s32 @!p0 s18, s20;
	s20 =	sshll.u32 @!p0 s21, $0x12  }
0x27: {  	s17 =	sadd.s32 @!p0 s17, s18;
	s18 =	sor.u32 @!p0 $0x80, s20;
	s20 =	simm.s32 @!p0 $0x1E8600  }
0x28: {  	[tilespmem:s19], [sflag:$0x1] =	stream.strided.gather @!p0 [hbm4b:s17+s18], $0x800, s20, s18, $0x38;
	[tilespmem:$0x2000] =	vst v63  }
0x29: {  	p0 =	seq.s32 s13, $0x0  }
0x2a: {  	p1 =	sge.u32 @!p0 s13, s7  }
0x2b: {  	p0 =	por p0, p1  }
.Ltmp2:
0x2c: {  	_ = 	snop;
	(pc) =	sbr.rel @p0 .LBB1_5-.Ltmp2, $1  }
0x2d: {  	_ =	sdelay $0x3  }
0x2e: {  	s17 =	sand.u32 $0x800, s9  }
0x2f: {  	s18 =	sor.u32 $0x70, s17  }
0x30: {  	v1 =	vmov s18;
	_ =	sdelay $0x1  }
0x31: {  	_ =	swait.ge [sflag:s4], $0x800  }
0x32: {  	[sflag:s4] =	ssyncset.done $0x0  }
0x33: {  	s19 =	simm.s32 $0x0;
	[sflag:s4] =	ssyncadd.s32 $0xFFFFF800  }
0x34: {  	s17 =	sor.u32 $0x1040, s17;
	v6 =	vld.idx.msk [tilespmem:v1+s19+$0x0 ss:$0x1], $0xffff  }
0x35: {  	v0 =	vmov s17;
	v8 =	vld.idx.msk [tilespmem:v1+s19+$0xFFFFFF90 ss:$0x1], $0xffff  }
0x36: {  	v7 =	vld.idx.msk [tilespmem:v1+s19+$0xFFFFFFA0 ss:$0x1], $0xffff  }
0x37: {  	v5 =	vld.idx.msk [tilespmem:v1+s19+$0xFFFFFFB0 ss:$0x1], $0xffff  }
0x38: {  	v4 =	vld.idx.msk [tilespmem:v1+s19+$0xFFFFFFC0 ss:$0x1], $0xffff  }
0x39: {  	s31 =	sshll.u32 s13, $0xB;
	v2 =	vld.idx.msk [tilespmem:v1+s19+$0xFFFFFFD0 ss:$0x1], $0xffff  }
0x3a: {  	s17 =	sand.u32 $0x800, s31;
	v3 =	vld.idx.msk [tilespmem:v1+s19+$0xFFFFFFE0 ss:$0x1], $0xffff;
	[tilespmem:v0+s19+$0x30 ss:$0x1] =	vst.idx.msk $0xffff, v6  }
0x3b: {  	s20 =	simm.s32 $0x400;
	s18 =	simm.s32 $0x80;
	s17 =	sor.u32 $0x1000, s17;
	[tilespmem:v0+s19+$0xFFFFFFC0 ss:$0x1] =	vst.idx.msk $0xffff, v8;
	v6 =	vld.idx.msk [tilespmem:v1+s19+$0xFFFFFFF0 ss:$0x1], $0xffff  }
.LBB1_3:
0x3c: {  	p0 =	sne.s32 s20, $0x1E00;
	v8 =	vld.idx.msk [tilespmem:v1+s18+$0x0 ss:$0x1], $0xffff;
	[tilespmem:v0+s19+$0xFFFFFFD0 ss:$0x1] =	vst.idx.msk $0xffff, v7  }
0x3d: {  	v9 =	vld.idx.msk [tilespmem:v1+s18+$0xFFFFFF90 ss:$0x1], $0xffff;
	[tilespmem:v0+s19+$0xFFFFFFE0 ss:$0x1] =	vst.idx.msk $0xffff, v5  }
0x3e: {  	v7 =	vld.idx.msk [tilespmem:v1+s18+$0xFFFFFFA0 ss:$0x1], $0xffff;
	[tilespmem:v0+s19+$0xFFFFFFF0 ss:$0x1] =	vst.idx.msk $0xffff, v4  }
.Ltmp3:
0x3f: {  	v5 =	vld.idx.msk [tilespmem:v1+s18+$0xFFFFFFB0 ss:$0x1], $0xffff;
	[tilespmem:v0+s19+$0x0 ss:$0x1] =	vst.idx.msk $0xffff, v2;
	(pc) =	sbr.rel @p0 .LBB1_3-.Ltmp3, $4  }
0x40: {  	v4 =	vld.idx.msk [tilespmem:v1+s18+$0xFFFFFFC0 ss:$0x1], $0xffff;
	[tilespmem:v0+s19+$0x10 ss:$0x1] =	vst.idx.msk $0xffff, v3  }
0x41: {  	v2 =	vld.idx.msk [tilespmem:v1+s18+$0xFFFFFFD0 ss:$0x1], $0xffff;
	[tilespmem:v0+s19+$0x20 ss:$0x1] =	vst.idx.msk $0xffff, v6;
	s19 =	smov.u32 s18  }
0x42: {  	v3 =	vld.idx.msk [tilespmem:v1+s19+$0xFFFFFFE0 ss:$0x1], $0xffff;
	[tilespmem:v0+s19+$0x30 ss:$0x1] =	vst.idx.msk $0xffff, v8  }
0x43: {  	s18 =	sshra.s32 s20, $0x2;
	s20 =	sadd.s32 $0x200, s20;
	[tilespmem:v0+s19+$0xFFFFFFC0 ss:$0x1] =	vst.idx.msk $0xffff, v9;
	v6 =	vld.idx.msk [tilespmem:v1+s19+$0xFFFFFFF0 ss:$0x1], $0xffff  }
0x44: {  	_ =	sdelay $0x2  }
0x45: {  	s20 =	sshrl.u32 s16, $0x3  }
0x46: {  	[tilespmem:v0+s19+$0xFFFFFFD0 ss:$0x1] =	vst.idx.msk $0xffff, v7;
	s21 =	sshll.u32 s15, $0x3;
	s20 =	smul.u32 $0x3D0C00, s20  }
0x47: {  	v56 =	vld.idx.msk [tilespmem:v1+s18+$0x0 ss:$0x1], $0xffff;
	[tilespmem:v0+s19+$0xFFFFFFE0 ss:$0x1] =	vst.idx.msk $0xffff, v5;
	s24 =	sshll.u32 s16, $0x7;
	s21 =	sand.u32 $0xFFFFFC00, s21  }
0x48: {  	v57 =	vld.idx.msk [tilespmem:v1+s18+$0xFFFFFF90 ss:$0x1], $0xffff;
	[tilespmem:v0+s19+$0xFFFFFFF0 ss:$0x1] =	vst.idx.msk $0xffff, v4;
	s16 =	sand.u32 $0x380, s24;
	s20 =	sadd.s32 s20, s21  }
0x49: {  	v58 =	vld.idx.msk [tilespmem:v1+s18+$0xFFFFFFA0 ss:$0x1], $0xffff;
	[tilespmem:v0+s19+$0x0 ss:$0x1] =	vst.idx.msk $0xffff, v2;
	s16 =	sor.u32 s16, s20  }
0x4a: {  	v59 =	vld.idx.msk [tilespmem:v1+s18+$0xFFFFFFB0 ss:$0x1], $0xffff;
	[tilespmem:v0+s19+$0x10 ss:$0x1] =	vst.idx.msk $0xffff, v3;
	s20 =	sshrl.u32 s16, $0x7  }
0x4b: {  	v60 =	vld.idx.msk [tilespmem:v1+s18+$0xFFFFFFC0 ss:$0x1], $0xffff;
	[tilespmem:v0+s19+$0x20 ss:$0x1] =	vst.idx.msk $0xffff, v6;
	s25 =	smulhi.u32 $0x10C6249, s20  }
0x4c: {  	v61 =	vld.idx.msk [tilespmem:v1+s18+$0xFFFFFFD0 ss:$0x1], $0xffff;
	[tilespmem:v0+s18+$0x30 ss:$0x1] =	vst.idx.msk $0xffff, v56  }
0x4d: {  	v62 =	vld.idx.msk [tilespmem:v1+s18+$0xFFFFFFE0 ss:$0x1], $0xffff;
	s14 =	smul.u32 $0xF4300, s14;
	[tilespmem:v0+s18+$0xFFFFFFC0 ss:$0x1] =	vst.idx.msk $0xffff, v57;
	s19 =	sshrl.u32 s25, $0x4  }
0x4e: {  	v63 =	vld.idx.msk [tilespmem:v1+s18+$0xFFFFFFF0 ss:$0x1], $0xffff;
	s26 =	sand.u32 $0x7F, s15;
	[tilespmem:v0+s18+$0xFFFFFFD0 ss:$0x1] =	vst.idx.msk $0xffff, v58;
	s27 =	smul.u32 $0x7A180, s19;
	s28 =	sand.u32 $0xF, s19  }
0x4f: {  	s15 =	sor.u32 s26, s16;
	[tilespmem:v0+s18+$0xFFFFFFE0 ss:$0x1] =	vst.idx.msk $0xffff, v59;
	s16 =	smul.u32 $0xF430, s28  }
.Ltmp4:
0x50: {  	[tilespmem:v0+s18+$0xFFFFFFF0 ss:$0x1] =	vst.idx.msk $0xffff, v60;
	s15 =	ssub.s32 s15, s27;
	(pc) =	sbr.rel .LBB1_5-.Ltmp4, $4  }
0x51: {  	s14 =	sadd.s32 s3, s14;
	[tilespmem:v0+s18+$0x0 ss:$0x1] =	vst.idx.msk $0xffff, v61;
	s29 =	sand.u32 $0x7, s15  }
0x52: {  	[tilespmem:v0+s18+$0x10 ss:$0x1] =	vst.idx.msk $0xffff, v62;
	s15 =	sshrl.u32 s15, $0x3;
	s14 =	sadd.s32 s16, s14;
	s30 =	sshll.u32 s29, $0x12  }
0x53: {  	[tilespmem:v0+s18+$0x20 ss:$0x1] =	vst.idx.msk $0xffff, v63;
	s14 =	sadd.s32 s15, s14;
	s31 =	sor.u32 $0x400, s30  }
0x54: {  	[hbm4b:s14+s31] =	stream.strided.scatter [tilespmem:s17], [sflag:$0x2], $0x800, s8, s31, $0x38;
	[tilespmem:$0x2000] =	vst v63  }
.LBB1_6:
0x55: {  	_ =	sfence.sel $0x180000  }
0x56: {  	s2 =	simm.s32 $0x1;
	[bflag:$0x0] =	sbarrier.arrive $0xFFFF  }
0x57: {  	s31 =	simm.s32 $0x2;
	[sflag:s2] =	ssyncpa.u1 $0x1  }
0x58: {  	[sflag:s31] =	ssyncpa.u1 $0x1  }
0x59: {  	p0 =	sne.s32 s0, $0x0;
	_ =	strace $0x90000047  }
0x5a: {  	s0 =	sadd.s32 @!p0 $0x100000, s1;
	[bflag:$0x2] =	sbarrier.arrive $0xFFFF  }
0x5b: {  	[sflag:s0] =	ssyncadd.tile.s32 @!p0 $0x1;
	_ =	shalt  }
.Lfunc_end1:
_tile_overlayer_lowered:
.L_overlay_start_2:
0x5c: {  	(tag) =	ssettag $0x2  }
0x5d: {  	s0 =	rddreg [dreg:$0x0];
	s2 =	stileid.u32  }
0x5e: {  	s1 =	rddreg [dreg:$0x1];
	p0 =	sne.s32 s2, $0x0  }
0x5f: {  	s3 =	rddreg [dreg:$0x2];
	[bflag:$0x3] =	sbarrier.arrive $0xFFFF;
	s2 =	simm.s32 @!p0 $0x1C01  }
0x60: {  	[timem:s3], [sflag:s2] =	dma.local @!p0 [hbm:s0], s1  }
0x61: {  	s0 =	simm.s32 @!p0 $0x1  }
0x62: {  	_ =	swait.ge @!p0 [sflag:s0], s1  }
0x63: {  	s1 =	ssub.s32 @!p0 $0x0, s1;
	[sflag:s0] =	ssyncset.done @!p0 $0x0  }
0x64: {  	[sflag:s0] =	ssyncadd.s32 @!p0 s1  }
0x65: {  	[bflag:$0x3] =	sbarrier.arrive $0xFFFF  }
0x66: {  	_ =	shalt  }

</sc_bundles>
